<compile_context>
chip_gen: v7x
topology: tpu7x:2x2x1
jax: 0.10.2.dev20260603
libtpu: 0.0.44.dev20260713+nightly
codegen_flags: <defaults>
</compile_context>

<pallas_src>
import functools

import jax
import jax.numpy as jnp
from jax import lax
from jax.experimental import pallas as pl
from jax.experimental.pallas import tpu as pltpu
from jax.experimental.pallas import tpu_sc as plsc

N = 10000
E = 320000
H = 128
G = 128

_NC = 2
_NS = 16
_NW = _NC * _NS
_EPW = E // _NW
_RPT = N // _NS

_ACH = 128
_NCH = 80
_EPT = _NCH * _ACH
_EPAD = _NW * _EPT

_sc_mesh = plsc.VectorSubcoreMesh(core_axis_name="c", subcore_axis_name="s")



def _deg_body(dst_hbm, ew_hbm, outa_hbm, outb_hbm,
              acc1d, didx2d, wv2d, zb1):
    c = lax.axis_index("c")
    s = lax.axis_index("s")
    wid = s * _NC + c
    rbase = pl.multiple_of(s * 640, 8)

    def zero(i, carry):
        zb1[pl.ds(i * 16, 16)] = jnp.zeros((16,), jnp.float32)
        return carry

    lax.fori_loop(0, 40, zero, 0)

    @pl.when(s < 15)
    def _():
        pltpu.sync_copy(zb1, acc1d.at[pl.ds(rbase, 640)])

    @pl.when(s == 15)
    def _():
        pltpu.sync_copy(zb1.at[pl.ds(0, 400)], acc1d.at[pl.ds(rbase, 400)])

    pltpu.sync_copy(dst_hbm.at[wid], didx2d)
    pltpu.sync_copy(ew_hbm.at[wid], wv2d)
    plsc.subcore_barrier()

    def chunk(q, carry):
        pltpu.sync_copy(wv2d.at[q], acc1d.at[didx2d.at[q]], add=True)
        return carry

    lax.fori_loop(0, _NCH, chunk, 0)
    plsc.subcore_barrier()

    for cc, out_ref in ((0, outa_hbm), (1, outb_hbm)):
        @pl.when((c == cc) & (s < 15))
        def _(out_ref=out_ref):
            pltpu.sync_copy(acc1d.at[pl.ds(rbase, 640)], zb1)
            pltpu.sync_copy(zb1, out_ref.at[pl.ds(rbase, 640)])

        @pl.when((c == cc) & (s == 15))
        def _(out_ref=out_ref):
            pltpu.sync_copy(acc1d.at[pl.ds(rbase, 400)], zb1.at[pl.ds(0, 400)])
            pltpu.sync_copy(zb1.at[pl.ds(0, 400)], out_ref.at[pl.ds(rbase, 400)])


@jax.jit
def _sc_deg(dst3, ew3):
    k = pl.kernel(
        _deg_body,
        mesh=_sc_mesh,
        out_type=[
            jax.ShapeDtypeStruct((N,), jnp.float32),
            jax.ShapeDtypeStruct((N,), jnp.float32),
        ],
        scratch_types=[
            pltpu.VMEM_SHARED((N,), jnp.float32),
            pltpu.VMEM((_NCH, _ACH), jnp.int32),
            pltpu.VMEM((_NCH, _ACH), jnp.float32),
            pltpu.VMEM((640,), jnp.float32),
        ],
    )
    return k(dst3, ew3)


def _agg_body(hp_hbm, src_hbm, dst_hbm, ew_hbm, outa_hbm, outb_hbm,
              acc_sh, rows3, sidx2d, didx2d, wv2d, gsem0, gsem1):
    c = lax.axis_index("c")
    s = lax.axis_index("s")
    wid = s * _NC + c
    rbase = pl.multiple_of(s * 640, 8)
    gsems = (gsem0, gsem1)

    def zero(i, carry):
        for j in range(8):
            rows3[0, i, pl.ds(16 * j, 16)] = jnp.zeros((16,), jnp.float32)
        return carry

    lax.fori_loop(0, _ACH, zero, 0)
    z128 = rows3.at[0]

    @pl.when(s < 15)
    def _():
        for k in range(5):
            pltpu.sync_copy(z128, acc_sh.at[pl.ds(rbase + 128 * k, 128)])

    @pl.when(s == 15)
    def _():
        for k in range(3):
            pltpu.sync_copy(z128, acc_sh.at[pl.ds(rbase + 128 * k, 128)])
        pltpu.sync_copy(z128.at[pl.ds(0, 16)],
                        acc_sh.at[pl.ds(rbase + 384, 16)])

    plsc.subcore_barrier()

    for half in range(2):
        hbase = half * (_NCH // 2)
        pltpu.sync_copy(src_hbm.at[wid, pl.ds(hbase, _NCH // 2)], sidx2d)
        pltpu.sync_copy(dst_hbm.at[wid, pl.ds(hbase, _NCH // 2)], didx2d)
        pltpu.sync_copy(ew_hbm.at[wid, pl.ds(hbase, _NCH // 2)], wv2d)
        pltpu.async_copy(hp_hbm.at[sidx2d.at[0]], rows3.at[0], gsem0)

        def pair(i, carry):
            for b in range(2):
                q = i * 2 + b

                @pl.when(q + 1 < _NCH // 2)
                def _():
                    pltpu.async_copy(hp_hbm.at[sidx2d.at[q + 1]],
                                     rows3.at[1 - b], gsems[1 - b])

                pltpu.make_async_copy(hp_hbm.at[sidx2d.at[q]],
                                      rows3.at[b], gsems[b]).wait()

                def sgrp(g, carry2):
                    w16 = wv2d[q, pl.ds(g * 16, 16)]
                    for l in range(16):
                        r = g * 16 + l
                        wb = lax.broadcast_in_dim(w16[l], (16,), ())
                        for j in range(8):
                            rows3[b, r, pl.ds(16 * j, 16)] = (
                                rows3[b, r, pl.ds(16 * j, 16)] * wb)
                    return carry2

                lax.fori_loop(0, _ACH // 16, sgrp, 0)
                pltpu.sync_copy(rows3.at[b], acc_sh.at[didx2d.at[q]], add=True)
            return carry

        lax.fori_loop(0, _NCH // 4, pair, 0)

    plsc.subcore_barrier()

    for cc, out_ref in ((0, outa_hbm), (1, outb_hbm)):
        @pl.when((c == cc) & (s < 15))
        def _(out_ref=out_ref):
            pltpu.sync_copy(acc_sh.at[pl.ds(rbase, 640)],
                            out_ref.at[pl.ds(rbase, 640)])

        @pl.when((c == cc) & (s == 15))
        def _(out_ref=out_ref):
            pltpu.sync_copy(acc_sh.at[pl.ds(rbase, 400)],
                            out_ref.at[pl.ds(rbase, 400)])


@jax.jit
def _sc_agg(hp, src, dst, ew):
    k = pl.kernel(
        _agg_body,
        mesh=_sc_mesh,
        out_type=[
            jax.ShapeDtypeStruct((N, H), jnp.float32),
            jax.ShapeDtypeStruct((N, H), jnp.float32),
        ],
        scratch_types=[
            pltpu.VMEM_SHARED((N, H), jnp.float32),
            pltpu.VMEM((2, _ACH, H), jnp.float32),
            pltpu.VMEM((_NCH // 2, _ACH), jnp.int32),
            pltpu.VMEM((_NCH // 2, _ACH), jnp.int32),
            pltpu.VMEM((_NCH // 2, _ACH), jnp.float32),
            pltpu.SemaphoreType.DMA,
            pltpu.SemaphoreType.DMA,
        ],
    )
    return k(hp, src, dst, ew)



def _bn_in(x):
    mu = jnp.mean(x, axis=0, keepdims=True)
    xc = x - mu
    var = jnp.mean(xc * xc, axis=0, keepdims=True)
    return xc * lax.rsqrt(var + 1e-5) + 1e-4


def _pre_body(h_ref, w_ref, dinv_ref, o_ref):
    xn = _bn_in(h_ref[...])
    o_ref[...] = jnp.dot(xn, w_ref[...],
                         preferred_element_type=jnp.float32) * dinv_ref[...]


def _tc_pre(h, W, dinv):
    return pl.pallas_call(
        _pre_body,
        out_shape=jax.ShapeDtypeStruct((N, H), jnp.float32),
    )(h, W, dinv)


def _post_body(aa_ref, ab_ref, hp_ref, dinv_ref, b_ref, o_ref):
    t = (aa_ref[...] + ab_ref[...] + hp_ref[...]) * dinv_ref[...] + b_ref[...]
    o_ref[...] = jnp.maximum(t, 0.0)


def _tc_post(aa, ab, hp, dinv, b):
    return pl.pallas_call(
        _post_body,
        out_shape=jax.ShapeDtypeStruct((N, H), jnp.float32),
    )(aa, ab, hp, dinv, b)


def _bn3_body(h_ref, o_ref):
    h = h_ref[...]
    for _ in range(3):
        h = jnp.maximum(_bn_in(h), 0.0)
    o_ref[...] = h


def _tc_bn3(h):
    return pl.pallas_call(
        _bn3_body,
        out_shape=jax.ShapeDtypeStruct((N, H), jnp.float32),
    )(h)


def _head_body(h1_ref, h2_ref, h4_ref, batch_ref, wl_ref, bl_ref,
               wc_ref, bc_ref, o1_ref, o2_ref, o4_ref):
    iota_g = lax.broadcasted_iota(jnp.int32, (G, N), 0)
    m = (batch_ref[...] == iota_g).astype(jnp.float32)
    for h_ref, o_ref in ((h1_ref, o1_ref), (h2_ref, o2_ref), (h4_ref, o4_ref)):
        g = jnp.dot(m, h_ref[...], preferred_element_type=jnp.float32)
        g = _bn_in(g)
        g = jnp.maximum(
            jnp.dot(g, wl_ref[...], preferred_element_type=jnp.float32)
            + bl_ref[...], 0.0)
        g = _bn_in(g)
        g = jnp.dot(g, wc_ref[...], preferred_element_type=jnp.float32) \
            + bc_ref[...]
        mx = jnp.max(g, axis=1, keepdims=True)
        lse = jnp.log(jnp.sum(jnp.exp(g - mx), axis=1, keepdims=True)) + mx
        o_ref[...] = g - lse


def _tc_head(h1, h2, h4, batch2d, Wl, bl, Wc, bc):
    return pl.pallas_call(
        _head_body,
        out_shape=[
            jax.ShapeDtypeStruct((G, 10), jnp.float32),
            jax.ShapeDtypeStruct((G, 10), jnp.float32),
            jax.ShapeDtypeStruct((G, 10), jnp.float32),
        ],
    )(h1, h2, h4, batch2d, Wl, bl, Wc, bc)



def kernel(x, edge_index, batch, edge_weight, Wf, bf, W1, b1, W2, b2, W3, b3,
           Wl, bl, Wc, bc):
    pad = _EPAD - E
    fill = (jnp.arange(pad, dtype=jnp.int32) * 797) % N
    src3 = jnp.concatenate([edge_index[0], fill]).reshape(_NW, _NCH, _ACH)
    dst3 = jnp.concatenate([edge_index[1], fill]).reshape(_NW, _NCH, _ACH)
    ew3 = jnp.concatenate(
        [edge_weight, jnp.zeros((pad,), jnp.float32)]).reshape(_NW, _NCH, _ACH)

    dega, degb = _sc_deg(dst3, ew3)
    dinv = (1.0 / jnp.sqrt(dega + degb + 1.0)).reshape(N, 1)

    def conv(h, W, b):
        hp = _tc_pre(h, W, dinv)
        aa, ab = _sc_agg(hp, src3, dst3, ew3)
        return _tc_post(aa, ab, hp, dinv, b.reshape(1, H))

    x0 = conv(x, Wf, bf)
    convs = [(W1, b1), (W2, b2), (W3, b3)]

    h = x0
    for (W, b) in convs:
        h = conv(h, W, b)
    h1 = h

    h = x0
    for (W, b) in convs:
        h = conv(h, W, b)
        h = conv(h, W, b)
    h2 = h

    h4 = _tc_bn3(x0)

    o1, o2, o4 = _tc_head(h1, h2, h4, batch.reshape(1, N), Wl,
                          bl.reshape(1, H), Wc, bc.reshape(1, 10))
    return (o1, o2, o1, o4)

# --- scband reference (transcript-rebuilt; emitter-appended) ---
"""Pipeline reference for scband-res-gcn-71425306132758 (READ-ONLY COPY).

The authoritative reference and input builder live on the scoring server;
editing this copy changes nothing except your own understanding.
"""

import jax, jax.numpy as jnp
import numpy as np

N = 10000
E = 320000
D = 128
H = 128
C = 10
G = 128


def _bn(x):
    mu = x.mean(axis=0)
    var = x.var(axis=0)
    return (x - mu) / jnp.sqrt(var + 1e-5) * 1.0 + 1e-4


def _gcn(x, src, dst, ew, W, b, n):
    h = x @ W
    loop = jnp.arange(n)
    s = jnp.concatenate([src, loop])
    d = jnp.concatenate([dst, loop])
    w = jnp.concatenate([ew, jnp.ones((n,), h.dtype)])
    deg = jnp.zeros((n,), h.dtype).at[d].add(w)
    dinv = jnp.where(deg > 0, 1.0 / jnp.sqrt(deg), 0.0)
    norm = dinv[s] * w * dinv[d]
    out = jnp.zeros_like(h).at[d].add(h[s] * norm[:, None])
    return out + b


def _forward(x, edge_index, batch, edge_weight, Wf, bf, W1, b1, W2, b2, W3, b3, Wl, bl, Wc, bc):
    n = x.shape[0]
    src = edge_index[0]
    dst = edge_index[1]
    x0 = _bn(x)
    x0 = jax.nn.relu(_gcn(x0, src, dst, edge_weight, Wf, bf, n))
    convs = [(W1, b1), (W2, b2), (W3, b3)]
    x_list = []
    # branch 1: BN -> Conv -> ReLU (conv_residual=False)
    h = x0
    for (W, b) in convs:
        h = jax.nn.relu(_gcn(_bn(h), src, dst, edge_weight, W, b, n))
    x_list.append(h)
    # branch 2: (BN -> Conv -> ReLU) twice per layer with the same conv/bn
    h = x0
    for (W, b) in convs:
        h_ = jax.nn.relu(_gcn(_bn(h), src, dst, edge_weight, W, b, n))
        h_ = jax.nn.relu(_gcn(_bn(h_), src, dst, edge_weight, W, b, n))
        h = h_
    x_list.append(h)
    # branch 3: same structure as branch 1
    h = x0
    for (W, b) in convs:
        h = jax.nn.relu(_gcn(_bn(h), src, dst, edge_weight, W, b, n))
    x_list.append(h)
    # branch 4: BN -> ReLU only
    h = x0
    for _ in convs:
        h = jax.nn.relu(_bn(h))
    x_list.append(h)
    outs = []
    for h in x_list:
        g = jax.ops.segment_sum(h, batch, num_segments=G)
        g = jax.nn.relu(_bn(g) @ Wl + bl)
        g = _bn(g)
        g = g @ Wc + bc
        outs.append(jax.nn.log_softmax(g, axis=-1))
    return tuple(outs)


def setup_inputs(seed: int = 0):
    key = jax.random.key(seed)
    ks = jax.random.split(key, 12)
    s = 0.05
    inp = {}
    inp["x"] = jax.random.normal(ks[0], (N, D), dtype=jnp.float32)
    inp["edge_index"] = jax.random.randint(ks[1], (2, E), 0, N, dtype=jnp.int32)
    inp["batch"] = jnp.sort(jax.random.randint(ks[2], (N,), 0, G, dtype=jnp.int32))
    inp["edge_weight"] = jax.random.uniform(ks[3], (E,), dtype=jnp.float32)
    inp["Wf"] = jax.random.normal(ks[4], (D, H), dtype=jnp.float32) * s
    inp["bf"] = jnp.zeros((H,), dtype=jnp.float32)
    inp["W1"] = jax.random.normal(ks[5], (H, H), dtype=jnp.float32) * s
    inp["b1"] = jnp.zeros((H,), dtype=jnp.float32)
    inp["W2"] = jax.random.normal(ks[6], (H, H), dtype=jnp.float32) * s
    inp["b2"] = jnp.zeros((H,), dtype=jnp.float32)
    inp["W3"] = jax.random.normal(ks[7], (H, H), dtype=jnp.float32) * s
    inp["b3"] = jnp.zeros((H,), dtype=jnp.float32)
    inp["Wl"] = jax.random.normal(ks[8], (H, H), dtype=jnp.float32) * s
    inp["bl"] = jnp.zeros((H,), dtype=jnp.float32)
    inp["Wc"] = jax.random.normal(ks[9], (H, C), dtype=jnp.float32) * s
    inp["bc"] = jnp.zeros((C,), dtype=jnp.float32)
    return inp


def reference(x, edge_index, batch, edge_weight, Wf, bf, W1, b1, W2, b2, W3, b3, Wl, bl, Wc, bc):
    return _forward(x, edge_index, batch, edge_weight, Wf, bf, W1, b1, W2, b2, W3, b3, Wl, bl, Wc, bc)

if __name__ == "__main__":
    import jax
    _d = setup_inputs()
    print(jax.jit(kernel)(*tuple(_d.values())))

</pallas_src>

<mosaic_0001>
#map = affine_map<(d0, d1) -> (0, 0, 0)>
#map1 = affine_map<(d0, d1) -> (0)>
module attributes {stable_mosaic.version = 14 : i64} {
  func.func @_deg_body(%arg0: i32, %arg1: i32, %arg2: memref<32x80x128xi32, #tpu.memory_space<hbm>>, %arg3: memref<32x80x128xf32, #tpu.memory_space<hbm>>, %arg4: memref<10000xf32, #tpu.memory_space<hbm>>, %arg5: memref<10000xf32, #tpu.memory_space<hbm>>, %arg6: memref<10000xf32, #tpu.memory_space<vmem_shared>>, %arg7: memref<80x128xi32, #tpu.memory_space<vmem>>, %arg8: memref<80x128xf32, #tpu.memory_space<vmem>>, %arg9: memref<640xf32, #tpu.memory_space<vmem>>) attributes {dimension_semantics = [#tpu.dimension_semantics<core_parallel>, #tpu.dimension_semantics<subcore_parallel>], iteration_bounds = array<i64: 2, 16>, scalar_prefetch = 0 : i64, scratch_operands = 4 : i64, tpu.core_type = #tpu.core_type<sc_vector_subcore>, window_params = [{transform_indices = #map}, {transform_indices = #map}, {transform_indices = #map1}, {transform_indices = #map1}]} {
    %mul3A = arith.constant 2 : i32
    %mul3A_0 = arith.muli %arg1, %mul3A : i32
    %add3A = arith.addi %mul3A_0, %arg0 : i32
    %mul3A_1 = arith.constant 640 : i32
    %mul3A_2 = arith.muli %arg1, %mul3A_1 : i32
    %multiple_of3A = tpu.assume_multiple %mul3A_2, 8 : i32
    %scan3A = arith.constant 0 : i32
    %scan3A_3 = arith.constant 0 : i32
    %scan3A_4 = arith.constant 40 : i32
    %scan3A_5 = arith.addi %scan3A_3, %scan3A_4 : i32
    %scan3A_6 = arith.constant 1 : i32
    scf.for %scan3A_52 = %scan3A_3 to %scan3A_5 step %scan3A_6  : i32 {
      %broadcast_in_dim3A = arith.constant 0.000000e+00 : f32
      %broadcast_in_dim3A_53 = vector.broadcast %broadcast_in_dim3A : f32 to vector<16xf32>
      %mul3A_54 = arith.constant 16 : i32
      %mul3A_55 = arith.muli %scan3A_52, %mul3A_54 : i32
      %swap3A = arith.index_cast %mul3A_55 : i32 to index
      %swap3A_56 = tpu.vector_load %arg9[%swap3A] {strides = array<i32>} : memref<640xf32, #tpu.memory_space<vmem>>, vector<16xf32>,
      %swap3A_57 = vector.shape_cast %swap3A_56 : vector<16xf32> to vector<16xf32>
      %swap3A_58 = vector.shape_cast %broadcast_in_dim3A_53 : vector<16xf32> to vector<16xf32>
      tpu.vector_store %arg9[%swap3A], %swap3A_58 {strides = array<i32>} : memref<640xf32, #tpu.memory_space<vmem>>, vector<16xf32>,
    }
    %scan3A_7 = arith.constant 40 : i32
    %lt3A = arith.constant 15 : i32
    %lt3A_8 = arith.cmpi slt, %arg1, %lt3A : i32
    %convert_element_type3A = arith.extui %lt3A_8 : i1 to i32
    %cond3A = arith.constant 0 : i32
    %cond3A_9 = arith.cmpi ne, %convert_element_type3A, %cond3A : i32
    scf.if %cond3A_9 {
      "tpu.region"() ({
        %run_scoped3A = tpu.sem_alloc : memref<!tpu.dma_semaphore, #tpu.memory_space<semaphore_mem>>
        %dma_start3A = tpu.memref_slice %arg6[%multiple_of3A] : memref<10000xf32, #tpu.memory_space<vmem_shared>> -> memref<640xf32, #tpu.memory_space<vmem_shared>>
        %dma_start3A_52 = tpu.memref_slice %arg6[%multiple_of3A] : memref<10000xf32, #tpu.memory_space<vmem_shared>> -> memref<640xf32, #tpu.memory_space<vmem_shared>>
        tpu.enqueue_dma source(%arg9 : memref<640xf32, #tpu.memory_space<vmem>>) target(%dma_start3A_52 : memref<640xf32, #tpu.memory_space<vmem_shared>>) target_semaphore(%run_scoped3A : memref<!tpu.dma_semaphore, #tpu.memory_space<semaphore_mem>>)
        %dma_wait3A = tpu.memref_slice %arg6[%multiple_of3A] : memref<10000xf32, #tpu.memory_space<vmem_shared>> -> memref<640xf32, #tpu.memory_space<vmem_shared>>
        %dma_wait3A_53 = tpu.memref_slice %arg6[%multiple_of3A] : memref<10000xf32, #tpu.memory_space<vmem_shared>> -> memref<640xf32, #tpu.memory_space<vmem_shared>>
        tpu.wait_dma2 semaphore(%run_scoped3A : memref<!tpu.dma_semaphore, #tpu.memory_space<semaphore_mem>>) src(%arg9 : memref<640xf32, #tpu.memory_space<vmem>>) dst(%dma_wait3A_53 : memref<640xf32, #tpu.memory_space<vmem_shared>>)
        tpu.yield
      }) : () -> ()
    } else {
    }
    %eq3A = arith.constant 15 : i32
    %eq3A_10 = arith.cmpi eq, %arg1, %eq3A : i32
    %convert_element_type3A_11 = arith.extui %eq3A_10 : i1 to i32
    %cond3A_12 = arith.constant 0 : i32
    %cond3A_13 = arith.cmpi ne, %convert_element_type3A_11, %cond3A_12 : i32
    scf.if %cond3A_13 {
      "tpu.region"() ({
        %run_scoped3A = tpu.sem_alloc : memref<!tpu.dma_semaphore, #tpu.memory_space<semaphore_mem>>
        %dma_start3A = arith.constant 0 : i32
        %dma_start3A_52 = tpu.memref_slice %arg9[%dma_start3A] : memref<640xf32, #tpu.memory_space<vmem>> -> memref<400xf32, #tpu.memory_space<vmem>>
        %dma_start3A_53 = tpu.memref_slice %arg6[%multiple_of3A] : memref<10000xf32, #tpu.memory_space<vmem_shared>> -> memref<400xf32, #tpu.memory_space<vmem_shared>>
        %dma_start3A_54 = tpu.memref_slice %arg6[%multiple_of3A] : memref<10000xf32, #tpu.memory_space<vmem_shared>> -> memref<400xf32, #tpu.memory_space<vmem_shared>>
        %dma_start3A_55 = arith.constant 0 : i32
        %dma_start3A_56 = tpu.memref_slice %arg9[%dma_start3A_55] : memref<640xf32, #tpu.memory_space<vmem>> -> memref<400xf32, #tpu.memory_space<vmem>>
        tpu.enqueue_dma source(%dma_start3A_56 : memref<400xf32, #tpu.memory_space<vmem>>) target(%dma_start3A_54 : memref<400xf32, #tpu.memory_space<vmem_shared>>) target_semaphore(%run_scoped3A : memref<!tpu.dma_semaphore, #tpu.memory_space<semaphore_mem>>)
        %dma_wait3A = arith.constant 0 : i32
        %dma_wait3A_57 = tpu.memref_slice %arg9[%dma_wait3A] : memref<640xf32, #tpu.memory_space<vmem>> -> memref<400xf32, #tpu.memory_space<vmem>>
        %dma_wait3A_58 = tpu.memref_slice %arg6[%multiple_of3A] : memref<10000xf32, #tpu.memory_space<vmem_shared>> -> memref<400xf32, #tpu.memory_space<vmem_shared>>
        %dma_wait3A_59 = tpu.memref_slice %arg6[%multiple_of3A] : memref<10000xf32, #tpu.memory_space<vmem_shared>> -> memref<400xf32, #tpu.memory_space<vmem_shared>>
        %dma_wait3A_60 = arith.constant 0 : i32
        %dma_wait3A_61 = tpu.memref_slice %arg9[%dma_wait3A_60] : memref<640xf32, #tpu.memory_space<vmem>> -> memref<400xf32, #tpu.memory_space<vmem>>
        tpu.wait_dma2 semaphore(%run_scoped3A : memref<!tpu.dma_semaphore, #tpu.memory_space<semaphore_mem>>) src(%dma_wait3A_61 : memref<400xf32, #tpu.memory_space<vmem>>) dst(%dma_wait3A_59 : memref<400xf32, #tpu.memory_space<vmem_shared>>)
        tpu.yield
      }) : () -> ()
    } else {
    }
    "tpu.region"() ({
      %run_scoped3A = tpu.sem_alloc : memref<!tpu.dma_semaphore, #tpu.memory_space<semaphore_mem>>
      %dma_start3A = arith.constant 0 : i32
      %dma_start3A_52 = arith.constant 0 : i32
      %dma_start3A_53 = tpu.memref_slice %arg2[%add3A, %dma_start3A, %dma_start3A_52] : memref<32x80x128xi32, #tpu.memory_space<hbm>> -> memref<1x80x128xi32, #tpu.memory_space<hbm>>
      %dma_start3A_54 = tpu.memref_squeeze %dma_start3A_53 : memref<1x80x128xi32, #tpu.memory_space<hbm>> -> memref<80x128xi32, #tpu.memory_space<hbm>>
      %dma_start3A_55 = arith.constant 0 : i32
      %dma_start3A_56 = arith.constant 0 : i32
      %dma_start3A_57 = tpu.memref_slice %arg2[%add3A, %dma_start3A_55, %dma_start3A_56] : memref<32x80x128xi32, #tpu.memory_space<hbm>> -> memref<1x80x128xi32, #tpu.memory_space<hbm>>
      %dma_start3A_58 = tpu.memref_squeeze %dma_start3A_57 : memref<1x80x128xi32, #tpu.memory_space<hbm>> -> memref<80x128xi32, #tpu.memory_space<hbm>>
      tpu.enqueue_dma source(%dma_start3A_58 : memref<80x128xi32, #tpu.memory_space<hbm>>) target(%arg7 : memref<80x128xi32, #tpu.memory_space<vmem>>) target_semaphore(%run_scoped3A : memref<!tpu.dma_semaphore, #tpu.memory_space<semaphore_mem>>)
      %dma_wait3A = arith.constant 0 : i32
      %dma_wait3A_59 = arith.constant 0 : i32
      %dma_wait3A_60 = tpu.memref_slice %arg2[%add3A, %dma_wait3A, %dma_wait3A_59] : memref<32x80x128xi32, #tpu.memory_space<hbm>> -> memref<1x80x128xi32, #tpu.memory_space<hbm>>
      %dma_wait3A_61 = tpu.memref_squeeze %dma_wait3A_60 : memref<1x80x128xi32, #tpu.memory_space<hbm>> -> memref<80x128xi32, #tpu.memory_space<hbm>>
      %dma_wait3A_62 = arith.constant 0 : i32
      %dma_wait3A_63 = arith.constant 0 : i32
      %dma_wait3A_64 = tpu.memref_slice %arg2[%add3A, %dma_wait3A_62, %dma_wait3A_63] : memref<32x80x128xi32, #tpu.memory_space<hbm>> -> memref<1x80x128xi32, #tpu.memory_space<hbm>>
      %dma_wait3A_65 = tpu.memref_squeeze %dma_wait3A_64 : memref<1x80x128xi32, #tpu.memory_space<hbm>> -> memref<80x128xi32, #tpu.memory_space<hbm>>
      tpu.wait_dma2 semaphore(%run_scoped3A : memref<!tpu.dma_semaphore, #tpu.memory_space<semaphore_mem>>) src(%dma_wait3A_65 : memref<80x128xi32, #tpu.memory_space<hbm>>) dst(%arg7 : memref<80x128xi32, #tpu.memory_space<vmem>>)
      tpu.yield
    }) : () -> ()
    "tpu.region"() ({
      %run_scoped3A = tpu.sem_alloc : memref<!tpu.dma_semaphore, #tpu.memory_space<semaphore_mem>>
      %dma_start3A = arith.constant 0 : i32
      %dma_start3A_52 = arith.constant 0 : i32
      %dma_start3A_53 = tpu.memref_slice %arg3[%add3A, %dma_start3A, %dma_start3A_52] : memref<32x80x128xf32, #tpu.memory_space<hbm>> -> memref<1x80x128xf32, #tpu.memory_space<hbm>>
      %dma_start3A_54 = tpu.memref_squeeze %dma_start3A_53 : memref<1x80x128xf32, #tpu.memory_space<hbm>> -> memref<80x128xf32, #tpu.memory_space<hbm>>
      %dma_start3A_55 = arith.constant 0 : i32
      %dma_start3A_56 = arith.constant 0 : i32
      %dma_start3A_57 = tpu.memref_slice %arg3[%add3A, %dma_start3A_55, %dma_start3A_56] : memref<32x80x128xf32, #tpu.memory_space<hbm>> -> memref<1x80x128xf32, #tpu.memory_space<hbm>>
      %dma_start3A_58 = tpu.memref_squeeze %dma_start3A_57 : memref<1x80x128xf32, #tpu.memory_space<hbm>> -> memref<80x128xf32, #tpu.memory_space<hbm>>
      tpu.enqueue_dma source(%dma_start3A_58 : memref<80x128xf32, #tpu.memory_space<hbm>>) target(%arg8 : memref<80x128xf32, #tpu.memory_space<vmem>>) target_semaphore(%run_scoped3A : memref<!tpu.dma_semaphore, #tpu.memory_space<semaphore_mem>>)
      %dma_wait3A = arith.constant 0 : i32
      %dma_wait3A_59 = arith.constant 0 : i32
      %dma_wait3A_60 = tpu.memref_slice %arg3[%add3A, %dma_wait3A, %dma_wait3A_59] : memref<32x80x128xf32, #tpu.memory_space<hbm>> -> memref<1x80x128xf32, #tpu.memory_space<hbm>>
      %dma_wait3A_61 = tpu.memref_squeeze %dma_wait3A_60 : memref<1x80x128xf32, #tpu.memory_space<hbm>> -> memref<80x128xf32, #tpu.memory_space<hbm>>
      %dma_wait3A_62 = arith.constant 0 : i32
      %dma_wait3A_63 = arith.constant 0 : i32
      %dma_wait3A_64 = tpu.memref_slice %arg3[%add3A, %dma_wait3A_62, %dma_wait3A_63] : memref<32x80x128xf32, #tpu.memory_space<hbm>> -> memref<1x80x128xf32, #tpu.memory_space<hbm>>
      %dma_wait3A_65 = tpu.memref_squeeze %dma_wait3A_64 : memref<1x80x128xf32, #tpu.memory_space<hbm>> -> memref<80x128xf32, #tpu.memory_space<hbm>>
      tpu.wait_dma2 semaphore(%run_scoped3A : memref<!tpu.dma_semaphore, #tpu.memory_space<semaphore_mem>>) src(%dma_wait3A_65 : memref<80x128xf32, #tpu.memory_space<hbm>>) dst(%arg8 : memref<80x128xf32, #tpu.memory_space<vmem>>)
      tpu.yield
    }) : () -> ()
    %barrier3A = arith.constant 0 : index
    tpu.barrier barrier_id(%barrier3A)
    %scan3A_14 = arith.constant 0 : i32
    %scan3A_15 = arith.constant 0 : i32
    %scan3A_16 = arith.constant 80 : i32
    %scan3A_17 = arith.addi %scan3A_15, %scan3A_16 : i32
    %scan3A_18 = arith.constant 1 : i32
    scf.for %scan3A_52 = %scan3A_15 to %scan3A_17 step %scan3A_18  : i32 {
      "tpu.region"() ({
        %run_scoped3A = tpu.sem_alloc : memref<!tpu.dma_semaphore, #tpu.memory_space<semaphore_mem>>
        %dma_start3A = arith.constant 0 : i32
        %dma_start3A_53 = tpu.memref_slice %arg8[%scan3A_52, %dma_start3A] : memref<80x128xf32, #tpu.memory_space<vmem>> -> memref<1x128xf32, #tpu.memory_space<vmem>>
        %dma_start3A_54 = tpu.memref_squeeze %dma_start3A_53 : memref<1x128xf32, #tpu.memory_space<vmem>> -> memref<128xf32, #tpu.memory_space<vmem>>
        %dma_start3A_55 = arith.constant 0 : i32
        %dma_start3A_56 = tpu.memref_slice %arg7[%scan3A_52, %dma_start3A_55] : memref<80x128xi32, #tpu.memory_space<vmem>> -> memref<1x128xi32, #tpu.memory_space<vmem>>
        %dma_start3A_57 = tpu.memref_squeeze %dma_start3A_56 : memref<1x128xi32, #tpu.memory_space<vmem>> -> memref<128xi32, #tpu.memory_space<vmem>>
        %dma_start3A_58 = arith.constant 0 : i32
        %dma_start3A_59 = tpu.memref_slice %arg6[%dma_start3A_58] : memref<10000xf32, #tpu.memory_space<vmem_shared>> -> memref<10000xf32, #tpu.memory_space<vmem_shared>>
        tpu.enqueue_indirect_dma source(%dma_start3A_54 : memref<128xf32, #tpu.memory_space<vmem>>) target(%dma_start3A_59 : memref<10000xf32, #tpu.memory_space<vmem_shared>>) offsets(%dma_start3A_57 : memref<128xi32, #tpu.memory_space<vmem>>) semaphore(%run_scoped3A : memref<!tpu.dma_semaphore, #tpu.memory_space<semaphore_mem>>) {add = true}
        %dma_wait3A = arith.constant 0 : i32
        %dma_wait3A_60 = tpu.memref_slice %arg8[%scan3A_52, %dma_wait3A] : memref<80x128xf32, #tpu.memory_space<vmem>> -> memref<1x128xf32, #tpu.memory_space<vmem>>
        %dma_wait3A_61 = tpu.memref_squeeze %dma_wait3A_60 : memref<1x128xf32, #tpu.memory_space<vmem>> -> memref<128xf32, #tpu.memory_space<vmem>>
        %dma_wait3A_62 = arith.constant 0 : i32
        %dma_wait3A_63 = tpu.memref_slice %arg7[%scan3A_52, %dma_wait3A_62] : memref<80x128xi32, #tpu.memory_space<vmem>> -> memref<1x128xi32, #tpu.memory_space<vmem>>
        %dma_wait3A_64 = tpu.memref_squeeze %dma_wait3A_63 : memref<1x128xi32, #tpu.memory_space<vmem>> -> memref<128xi32, #tpu.memory_space<vmem>>
        %dma_wait3A_65 = arith.constant 0 : i32
        %dma_wait3A_66 = tpu.memref_slice %arg6[%dma_wait3A_65] : memref<10000xf32, #tpu.memory_space<vmem_shared>> -> memref<10000xf32, #tpu.memory_space<vmem_shared>>
        tpu.wait_indirect_dma semaphore(%run_scoped3A : memref<!tpu.dma_semaphore, #tpu.memory_space<semaphore_mem>>) src(%dma_wait3A_61 : memref<128xf32, #tpu.memory_space<vmem>>) dst(%dma_wait3A_66 : memref<10000xf32, #tpu.memory_space<vmem_shared>>)
        tpu.yield
      }) : () -> ()
    }
    %scan3A_19 = arith.constant 80 : i32
    %barrier3A_20 = arith.constant 0 : index
    tpu.barrier barrier_id(%barrier3A_20)
    %eq3A_21 = arith.constant 0 : i32
    %eq3A_22 = arith.cmpi eq, %arg0, %eq3A_21 : i32
    %lt3A_23 = arith.constant 15 : i32
    %lt3A_24 = arith.cmpi slt, %arg1, %lt3A_23 : i32
    %and3A = arith.andi %eq3A_22, %lt3A_24 : i1
    %convert_element_type3A_25 = arith.extui %and3A : i1 to i32
    %cond3A_26 = arith.constant 0 : i32
    %cond3A_27 = arith.cmpi ne, %convert_element_type3A_25, %cond3A_26 : i32
    scf.if %cond3A_27 {
      "tpu.region"() ({
        %run_scoped3A = tpu.sem_alloc : memref<!tpu.dma_semaphore, #tpu.memory_space<semaphore_mem>>
        %dma_start3A = tpu.memref_slice %arg6[%multiple_of3A] : memref<10000xf32, #tpu.memory_space<vmem_shared>> -> memref<640xf32, #tpu.memory_space<vmem_shared>>
        %dma_start3A_52 = tpu.memref_slice %arg6[%multiple_of3A] : memref<10000xf32, #tpu.memory_space<vmem_shared>> -> memref<640xf32, #tpu.memory_space<vmem_shared>>
        tpu.enqueue_dma source(%dma_start3A_52 : memref<640xf32, #tpu.memory_space<vmem_shared>>) target(%arg9 : memref<640xf32, #tpu.memory_space<vmem>>) target_semaphore(%run_scoped3A : memref<!tpu.dma_semaphore, #tpu.memory_space<semaphore_mem>>)
        %dma_wait3A = tpu.memref_slice %arg6[%multiple_of3A] : memref<10000xf32, #tpu.memory_space<vmem_shared>> -> memref<640xf32, #tpu.memory_space<vmem_shared>>
        %dma_wait3A_53 = tpu.memref_slice %arg6[%multiple_of3A] : memref<10000xf32, #tpu.memory_space<vmem_shared>> -> memref<640xf32, #tpu.memory_space<vmem_shared>>
        tpu.wait_dma2 semaphore(%run_scoped3A : memref<!tpu.dma_semaphore, #tpu.memory_space<semaphore_mem>>) src(%dma_wait3A_53 : memref<640xf32, #tpu.memory_space<vmem_shared>>) dst(%arg9 : memref<640xf32, #tpu.memory_space<vmem>>)
        tpu.yield
      }) : () -> ()
      "tpu.region"() ({
        %run_scoped3A = tpu.sem_alloc : memref<!tpu.dma_semaphore, #tpu.memory_space<semaphore_mem>>
        %dma_start3A = tpu.memref_slice %arg4[%multiple_of3A] : memref<10000xf32, #tpu.memory_space<hbm>> -> memref<640xf32, #tpu.memory_space<hbm>>
        %dma_start3A_52 = tpu.memref_slice %arg4[%multiple_of3A] : memref<10000xf32, #tpu.memory_space<hbm>> -> memref<640xf32, #tpu.memory_space<hbm>>
        tpu.enqueue_dma source(%arg9 : memref<640xf32, #tpu.memory_space<vmem>>) target(%dma_start3A_52 : memref<640xf32, #tpu.memory_space<hbm>>) target_semaphore(%run_scoped3A : memref<!tpu.dma_semaphore, #tpu.memory_space<semaphore_mem>>)
        %dma_wait3A = tpu.memref_slice %arg4[%multiple_of3A] : memref<10000xf32, #tpu.memory_space<hbm>> -> memref<640xf32, #tpu.memory_space<hbm>>
        %dma_wait3A_53 = tpu.memref_slice %arg4[%multiple_of3A] : memref<10000xf32, #tpu.memory_space<hbm>> -> memref<640xf32, #tpu.memory_space<hbm>>
        tpu.wait_dma2 semaphore(%run_scoped3A : memref<!tpu.dma_semaphore, #tpu.memory_space<semaphore_mem>>) src(%arg9 : memref<640xf32, #tpu.memory_space<vmem>>) dst(%dma_wait3A_53 : memref<640xf32, #tpu.memory_space<hbm>>)
        tpu.yield
      }) : () -> ()
    } else {
    }
    %eq3A_28 = arith.constant 0 : i32
    %eq3A_29 = arith.cmpi eq, %arg0, %eq3A_28 : i32
    %eq3A_30 = arith.constant 15 : i32
    %eq3A_31 = arith.cmpi eq, %arg1, %eq3A_30 : i32
    %and3A_32 = arith.andi %eq3A_29, %eq3A_31 : i1
    %convert_element_type3A_33 = arith.extui %and3A_32 : i1 to i32
    %cond3A_34 = arith.constant 0 : i32
    %cond3A_35 = arith.cmpi ne, %convert_element_type3A_33, %cond3A_34 : i32
    scf.if %cond3A_35 {
      "tpu.region"() ({
        %run_scoped3A = tpu.sem_alloc : memref<!tpu.dma_semaphore, #tpu.memory_space<semaphore_mem>>
        %dma_start3A = arith.constant 0 : i32
        %dma_start3A_52 = tpu.memref_slice %arg9[%dma_start3A] : memref<640xf32, #tpu.memory_space<vmem>> -> memref<400xf32, #tpu.memory_space<vmem>>
        %dma_start3A_53 = tpu.memref_slice %arg6[%multiple_of3A] : memref<10000xf32, #tpu.memory_space<vmem_shared>> -> memref<400xf32, #tpu.memory_space<vmem_shared>>
        %dma_start3A_54 = arith.constant 0 : i32
        %dma_start3A_55 = tpu.memref_slice %arg9[%dma_start3A_54] : memref<640xf32, #tpu.memory_space<vmem>> -> memref<400xf32, #tpu.memory_space<vmem>>
        %dma_start3A_56 = tpu.memref_slice %arg6[%multiple_of3A] : memref<10000xf32, #tpu.memory_space<vmem_shared>> -> memref<400xf32, #tpu.memory_space<vmem_shared>>
        tpu.enqueue_dma source(%dma_start3A_56 : memref<400xf32, #tpu.memory_space<vmem_shared>>) target(%dma_start3A_55 : memref<400xf32, #tpu.memory_space<vmem>>) target_semaphore(%run_scoped3A : memref<!tpu.dma_semaphore, #tpu.memory_space<semaphore_mem>>)
        %dma_wait3A = arith.constant 0 : i32
        %dma_wait3A_57 = tpu.memref_slice %arg9[%dma_wait3A] : memref<640xf32, #tpu.memory_space<vmem>> -> memref<400xf32, #tpu.memory_space<vmem>>
        %dma_wait3A_58 = tpu.memref_slice %arg6[%multiple_of3A] : memref<10000xf32, #tpu.memory_space<vmem_shared>> -> memref<400xf32, #tpu.memory_space<vmem_shared>>
        %dma_wait3A_59 = arith.constant 0 : i32
        %dma_wait3A_60 = tpu.memref_slice %arg9[%dma_wait3A_59] : memref<640xf32, #tpu.memory_space<vmem>> -> memref<400xf32, #tpu.memory_space<vmem>>
        %dma_wait3A_61 = tpu.memref_slice %arg6[%multiple_of3A] : memref<10000xf32, #tpu.memory_space<vmem_shared>> -> memref<400xf32, #tpu.memory_space<vmem_shared>>
        tpu.wait_dma2 semaphore(%run_scoped3A : memref<!tpu.dma_semaphore, #tpu.memory_space<semaphore_mem>>) src(%dma_wait3A_61 : memref<400xf32, #tpu.memory_space<vmem_shared>>) dst(%dma_wait3A_60 : memref<400xf32, #tpu.memory_space<vmem>>)
        tpu.yield
      }) : () -> ()
      "tpu.region"() ({
        %run_scoped3A = tpu.sem_alloc : memref<!tpu.dma_semaphore, #tpu.memory_space<semaphore_mem>>
        %dma_start3A = arith.constant 0 : i32
        %dma_start3A_52 = tpu.memref_slice %arg9[%dma_start3A] : memref<640xf32, #tpu.memory_space<vmem>> -> memref<400xf32, #tpu.memory_space<vmem>>
        %dma_start3A_53 = tpu.memref_slice %arg4[%multiple_of3A] : memref<10000xf32, #tpu.memory_space<hbm>> -> memref<400xf32, #tpu.memory_space<hbm>>
        %dma_start3A_54 = tpu.memref_slice %arg4[%multiple_of3A] : memref<10000xf32, #tpu.memory_space<hbm>> -> memref<400xf32, #tpu.memory_space<hbm>>
        %dma_start3A_55 = arith.constant 0 : i32
        %dma_start3A_56 = tpu.memref_slice %arg9[%dma_start3A_55] : memref<640xf32, #tpu.memory_space<vmem>> -> memref<400xf32, #tpu.memory_space<vmem>>
        tpu.enqueue_dma source(%dma_start3A_56 : memref<400xf32, #tpu.memory_space<vmem>>) target(%dma_start3A_54 : memref<400xf32, #tpu.memory_space<hbm>>) target_semaphore(%run_scoped3A : memref<!tpu.dma_semaphore, #tpu.memory_space<semaphore_mem>>)
        %dma_wait3A = arith.constant 0 : i32
        %dma_wait3A_57 = tpu.memref_slice %arg9[%dma_wait3A] : memref<640xf32, #tpu.memory_space<vmem>> -> memref<400xf32, #tpu.memory_space<vmem>>
        %dma_wait3A_58 = tpu.memref_slice %arg4[%multiple_of3A] : memref<10000xf32, #tpu.memory_space<hbm>> -> memref<400xf32, #tpu.memory_space<hbm>>
        %dma_wait3A_59 = tpu.memref_slice %arg4[%multiple_of3A] : memref<10000xf32, #tpu.memory_space<hbm>> -> memref<400xf32, #tpu.memory_space<hbm>>
        %dma_wait3A_60 = arith.constant 0 : i32
        %dma_wait3A_61 = tpu.memref_slice %arg9[%dma_wait3A_60] : memref<640xf32, #tpu.memory_space<vmem>> -> memref<400xf32, #tpu.memory_space<vmem>>
        tpu.wait_dma2 semaphore(%run_scoped3A : memref<!tpu.dma_semaphore, #tpu.memory_space<semaphore_mem>>) src(%dma_wait3A_61 : memref<400xf32, #tpu.memory_space<vmem>>) dst(%dma_wait3A_59 : memref<400xf32, #tpu.memory_space<hbm>>)
        tpu.yield
      }) : () -> ()
    } else {
    }
    %eq3A_36 = arith.constant 1 : i32
    %eq3A_37 = arith.cmpi eq, %arg0, %eq3A_36 : i32
    %lt3A_38 = arith.constant 15 : i32
    %lt3A_39 = arith.cmpi slt, %arg1, %lt3A_38 : i32
    %and3A_40 = arith.andi %eq3A_37, %lt3A_39 : i1
    %convert_element_type3A_41 = arith.extui %and3A_40 : i1 to i32
    %cond3A_42 = arith.constant 0 : i32
    %cond3A_43 = arith.cmpi ne, %convert_element_type3A_41, %cond3A_42 : i32
    scf.if %cond3A_43 {
      "tpu.region"() ({
        %run_scoped3A = tpu.sem_alloc : memref<!tpu.dma_semaphore, #tpu.memory_space<semaphore_mem>>
        %dma_start3A = tpu.memref_slice %arg6[%multiple_of3A] : memref<10000xf32, #tpu.memory_space<vmem_shared>> -> memref<640xf32, #tpu.memory_space<vmem_shared>>
        %dma_start3A_52 = tpu.memref_slice %arg6[%multiple_of3A] : memref<10000xf32, #tpu.memory_space<vmem_shared>> -> memref<640xf32, #tpu.memory_space<vmem_shared>>
        tpu.enqueue_dma source(%dma_start3A_52 : memref<640xf32, #tpu.memory_space<vmem_shared>>) target(%arg9 : memref<640xf32, #tpu.memory_space<vmem>>) target_semaphore(%run_scoped3A : memref<!tpu.dma_semaphore, #tpu.memory_space<semaphore_mem>>)
        %dma_wait3A = tpu.memref_slice %arg6[%multiple_of3A] : memref<10000xf32, #tpu.memory_space<vmem_shared>> -> memref<640xf32, #tpu.memory_space<vmem_shared>>
        %dma_wait3A_53 = tpu.memref_slice %arg6[%multiple_of3A] : memref<10000xf32, #tpu.memory_space<vmem_shared>> -> memref<640xf32, #tpu.memory_space<vmem_shared>>
        tpu.wait_dma2 semaphore(%run_scoped3A : memref<!tpu.dma_semaphore, #tpu.memory_space<semaphore_mem>>) src(%dma_wait3A_53 : memref<640xf32, #tpu.memory_space<vmem_shared>>) dst(%arg9 : memref<640xf32, #tpu.memory_space<vmem>>)
        tpu.yield
      }) : () -> ()
      "tpu.region"() ({
        %run_scoped3A = tpu.sem_alloc : memref<!tpu.dma_semaphore, #tpu.memory_space<semaphore_mem>>
        %dma_start3A = tpu.memref_slice %arg5[%multiple_of3A] : memref<10000xf32, #tpu.memory_space<hbm>> -> memref<640xf32, #tpu.memory_space<hbm>>
        %dma_start3A_52 = tpu.memref_slice %arg5[%multiple_of3A] : memref<10000xf32, #tpu.memory_space<hbm>> -> memref<640xf32, #tpu.memory_space<hbm>>
        tpu.enqueue_dma source(%arg9 : memref<640xf32, #tpu.memory_space<vmem>>) target(%dma_start3A_52 : memref<640xf32, #tpu.memory_space<hbm>>) target_semaphore(%run_scoped3A : memref<!tpu.dma_semaphore, #tpu.memory_space<semaphore_mem>>)
        %dma_wait3A = tpu.memref_slice %arg5[%multiple_of3A] : memref<10000xf32, #tpu.memory_space<hbm>> -> memref<640xf32, #tpu.memory_space<hbm>>
        %dma_wait3A_53 = tpu.memref_slice %arg5[%multiple_of3A] : memref<10000xf32, #tpu.memory_space<hbm>> -> memref<640xf32, #tpu.memory_space<hbm>>
        tpu.wait_dma2 semaphore(%run_scoped3A : memref<!tpu.dma_semaphore, #tpu.memory_space<semaphore_mem>>) src(%arg9 : memref<640xf32, #tpu.memory_space<vmem>>) dst(%dma_wait3A_53 : memref<640xf32, #tpu.memory_space<hbm>>)
        tpu.yield
      }) : () -> ()
    } else {
    }
    %eq3A_44 = arith.constant 1 : i32
    %eq3A_45 = arith.cmpi eq, %arg0, %eq3A_44 : i32
    %eq3A_46 = arith.constant 15 : i32
    %eq3A_47 = arith.cmpi eq, %arg1, %eq3A_46 : i32
    %and3A_48 = arith.andi %eq3A_45, %eq3A_47 : i1
    %convert_element_type3A_49 = arith.extui %and3A_48 : i1 to i32
    %cond3A_50 = arith.constant 0 : i32
    %cond3A_51 = arith.cmpi ne, %convert_element_type3A_49, %cond3A_50 : i32
    scf.if %cond3A_51 {
      "tpu.region"() ({
        %run_scoped3A = tpu.sem_alloc : memref<!tpu.dma_semaphore, #tpu.memory_space<semaphore_mem>>
        %dma_start3A = arith.constant 0 : i32
        %dma_start3A_52 = tpu.memref_slice %arg9[%dma_start3A] : memref<640xf32, #tpu.memory_space<vmem>> -> memref<400xf32, #tpu.memory_space<vmem>>
        %dma_start3A_53 = tpu.memref_slice %arg6[%multiple_of3A] : memref<10000xf32, #tpu.memory_space<vmem_shared>> -> memref<400xf32, #tpu.memory_space<vmem_shared>>
        %dma_start3A_54 = arith.constant 0 : i32
        %dma_start3A_55 = tpu.memref_slice %arg9[%dma_start3A_54] : memref<640xf32, #tpu.memory_space<vmem>> -> memref<400xf32, #tpu.memory_space<vmem>>
        %dma_start3A_56 = tpu.memref_slice %arg6[%multiple_of3A] : memref<10000xf32, #tpu.memory_space<vmem_shared>> -> memref<400xf32, #tpu.memory_space<vmem_shared>>
        tpu.enqueue_dma source(%dma_start3A_56 : memref<400xf32, #tpu.memory_space<vmem_shared>>) target(%dma_start3A_55 : memref<400xf32, #tpu.memory_space<vmem>>) target_semaphore(%run_scoped3A : memref<!tpu.dma_semaphore, #tpu.memory_space<semaphore_mem>>)
        %dma_wait3A = arith.constant 0 : i32
        %dma_wait3A_57 = tpu.memref_slice %arg9[%dma_wait3A] : memref<640xf32, #tpu.memory_space<vmem>> -> memref<400xf32, #tpu.memory_space<vmem>>
        %dma_wait3A_58 = tpu.memref_slice %arg6[%multiple_of3A] : memref<10000xf32, #tpu.memory_space<vmem_shared>> -> memref<400xf32, #tpu.memory_space<vmem_shared>>
        %dma_wait3A_59 = arith.constant 0 : i32
        %dma_wait3A_60 = tpu.memref_slice %arg9[%dma_wait3A_59] : memref<640xf32, #tpu.memory_space<vmem>> -> memref<400xf32, #tpu.memory_space<vmem>>
        %dma_wait3A_61 = tpu.memref_slice %arg6[%multiple_of3A] : memref<10000xf32, #tpu.memory_space<vmem_shared>> -> memref<400xf32, #tpu.memory_space<vmem_shared>>
        tpu.wait_dma2 semaphore(%run_scoped3A : memref<!tpu.dma_semaphore, #tpu.memory_space<semaphore_mem>>) src(%dma_wait3A_61 : memref<400xf32, #tpu.memory_space<vmem_shared>>) dst(%dma_wait3A_60 : memref<400xf32, #tpu.memory_space<vmem>>)
        tpu.yield
      }) : () -> ()
      "tpu.region"() ({
        %run_scoped3A = tpu.sem_alloc : memref<!tpu.dma_semaphore, #tpu.memory_space<semaphore_mem>>
        %dma_start3A = arith.constant 0 : i32
        %dma_start3A_52 = tpu.memref_slice %arg9[%dma_start3A] : memref<640xf32, #tpu.memory_space<vmem>> -> memref<400xf32, #tpu.memory_space<vmem>>
        %dma_start3A_53 = tpu.memref_slice %arg5[%multiple_of3A] : memref<10000xf32, #tpu.memory_space<hbm>> -> memref<400xf32, #tpu.memory_space<hbm>>
        %dma_start3A_54 = tpu.memref_slice %arg5[%multiple_of3A] : memref<10000xf32, #tpu.memory_space<hbm>> -> memref<400xf32, #tpu.memory_space<hbm>>
        %dma_start3A_55 = arith.constant 0 : i32
        %dma_start3A_56 = tpu.memref_slice %arg9[%dma_start3A_55] : memref<640xf32, #tpu.memory_space<vmem>> -> memref<400xf32, #tpu.memory_space<vmem>>
        tpu.enqueue_dma source(%dma_start3A_56 : memref<400xf32, #tpu.memory_space<vmem>>) target(%dma_start3A_54 : memref<400xf32, #tpu.memory_space<hbm>>) target_semaphore(%run_scoped3A : memref<!tpu.dma_semaphore, #tpu.memory_space<semaphore_mem>>)
        %dma_wait3A = arith.constant 0 : i32
        %dma_wait3A_57 = tpu.memref_slice %arg9[%dma_wait3A] : memref<640xf32, #tpu.memory_space<vmem>> -> memref<400xf32, #tpu.memory_space<vmem>>
        %dma_wait3A_58 = tpu.memref_slice %arg5[%multiple_of3A] : memref<10000xf32, #tpu.memory_space<hbm>> -> memref<400xf32, #tpu.memory_space<hbm>>
        %dma_wait3A_59 = tpu.memref_slice %arg5[%multiple_of3A] : memref<10000xf32, #tpu.memory_space<hbm>> -> memref<400xf32, #tpu.memory_space<hbm>>
        %dma_wait3A_60 = arith.constant 0 : i32
        %dma_wait3A_61 = tpu.memref_slice %arg9[%dma_wait3A_60] : memref<640xf32, #tpu.memory_space<vmem>> -> memref<400xf32, #tpu.memory_space<vmem>>
        tpu.wait_dma2 semaphore(%run_scoped3A : memref<!tpu.dma_semaphore, #tpu.memory_space<semaphore_mem>>) src(%dma_wait3A_61 : memref<400xf32, #tpu.memory_space<vmem>>) dst(%dma_wait3A_59 : memref<400xf32, #tpu.memory_space<hbm>>)
        tpu.yield
      }) : () -> ()
    } else {
    }
    return
  }
}

</mosaic_0001>

<sc_bundles>
// kernel: _sc_deg.3.cloned.1.call-start
scs
__scs_entry_jumppad:
0x0: {  	(pc) =	sbr.rel $0x88, $3  }
0x1: {  	(tag) =	ssettag $0x0;
	lr =	simm.s32 $0x1  }
0x2: {  	[smem:$0x3F9F] =	sst lr;
	_ =	strace $0xD0000000  }
0x3: {  	_ = 	snop  }
0x4: {  	_ = 	snop  }
0x5: {  	_ = 	snop  }
0x6: {  	_ = 	snop  }
0x7: {  	_ = 	snop  }
__scs_overlays_trampoline_lowered:
0x8: {  	[smem:$0x3FAE] =	sst s0  }
0x9: {  	[smem:$0x3FAF] =	sst s1  }
0xa: {  	[smem:$0x3FB0] =	sst s2  }
0xb: {  	[smem:$0x3FB1] =	sst s3  }
0xc: {  	[smem:$0x3FB2] =	sst s4  }
0xd: {  	[smem:$0x3FB3] =	sst s5  }
0xe: {  	[smem:$0x3FB4] =	sst s6  }
0xf: {  	[smem:$0x3FB5] =	sst s7  }
0x10: {  	[smem:$0x3FB6] =	sst s8  }
0x11: {  	[smem:$0x3FB7] =	sst s9;
	s0 =	simm.s32 @!p0 $0x0  }
0x12: {  	s1 =	sld [smem:$0x3F9D];
	s0 =	simm.s32 @p0 $0x1  }
0x13: {  	[smem:$0x3FB8] =	sst s0;
	s0 =	simm.s32 @!p1 $0x0  }
0x14: {  	s2 =	sld [smem:$0x3F9C];
	s0 =	simm.s32 @p1 $0x1  }
0x15: {  	[smem:$0x3FB9] =	sst s0;
	s0 =	simm.s32 @!p2 $0x0  }
0x16: {  	s3 =	sld [smem:$0x3FDB];
	s0 =	simm.s32 @p2 $0x1  }
0x17: {  	s4 =	simm.s32 $0x1BF5;
	[smem:$0x3FBB] =	sst s0  }
0x18: {  	s0 =	sld [smem:$0x3F9E];
	_ =	swait.ge [sflag:s4], $0x0  }
0x19: {  	s7 =	sld [smem:$0x3F9F]  }
0x1a: {  	s8 =	sadd.s32 $0xFFFFE003, lr  }
0x1b: {  	s9 =	sadd.s32 $0xFFFFFEF7, lr;
	s5 =	simm.s32 $0xFFFFFFFF;
	p2 =	slt.u32 s8, $0xFFFFF086  }
0x1c: {  	p1 =	slt.u32 s9, $0xF7A;
	s5 =	simm.s32 @!p2 $0x0  }
0x1d: {  	s5 =	simm.s32 @p1 $0x1;
	p0 =	seq.s32 s7, s2  }
0x1e: {  	s7 =	smul.u32 @!p0 $0xF7A, s2;
	p2 =	seq.s32 @!p0 s5, $0x0  }
0x1f: {  	s9 =	smul.u32 $0xF7A, s1;
	s8 =	simm.s32 @!p0 $0x1BF5;
	p2 =	por !p2, p0  }
0x20: {  	[sflag:s8] =	ssyncset.s32 @!p0 $0xFFFFF086;
	s6 =	sadd.s32 @!p0 s3, s7;
	s7 =	simm.s32 @!p0 $0x108  }
0x21: {  	s3 =	sadd.s32 s3, s9;
	s6 =	sadd.s32 @!p0 $0x88, s6;
	s7 =	simm.s32 @p2 $0x1082  }
0x22: {  	[simem:s7], [sflag:s8] =	dma.local @!p0 [hbm:s6], $0xF7A  }
0x23: {  	s9 =	sor.u32 $0xD0000000, s2;
	s6 =	simm.s32 $0x108;
	_ =	swait.ge @!p0 [sflag:s8], $0x0  }
0x24: {  	s3 =	sadd.s32 $0x88, s3;
	s6 =	simm.s32 @!p1 $0x1082;
	[sflag:s4] =	ssyncset.s32 $0xFFFFF086  }
0x25: {  	[simem:s6], [sflag:s4] =	dma.local [hbm:s3], $0xF7A  }
0x26: {  	[smem:$0x3F9F] =	sst s1;
	(tag) =	ssettag s2;
	_ =	strace s9  }
0x27: {  	s1 =	sld [smem:$0x3FAF]  }
0x28: {  	s2 =	sld [smem:$0x3FB0]  }
0x29: {  	s4 =	sld [smem:$0x3FB2]  }
0x2a: {  	p0 =	seq.s32 s5, $0x0;
	s5 =	sld [smem:$0x3FB3]  }
0x2b: {  	s6 =	sld [smem:$0x3FB4]  }
0x2c: {  	s7 =	sld [smem:$0x3FB5]  }
0x2d: {  	s3 =	simm.s32 $0x108;
	s8 =	sld [smem:$0x3FB6]  }
0x2e: {  	s3 =	simm.s32 @!p0 $0x1082;
	s9 =	sld [smem:$0x3FB7]  }
0x2f: {  	lr =	sadd.s32 s0, s3;
	s0 =	sld [smem:$0x3FAE]  }
0x30: {  	s3 =	sld [smem:$0x3FB1]  }
0x31: {  	[smem:$0x3FBA] =	sst s10  }
0x32: {  	s10 =	sld [smem:$0x3FB8];
	_ =	sdelay $0x3  }
0x33: {  	p0 =	seq.s32 s10, $0x1;
	s10 =	sld [smem:$0x3FBA];
	_ =	sdelay $0x3  }
0x34: {  	[smem:$0x3FBA] =	sst s10  }
0x35: {  	s10 =	sld [smem:$0x3FB9];
	_ =	sdelay $0x3  }
0x36: {  	p1 =	seq.s32 s10, $0x1;
	s10 =	sld [smem:$0x3FBA];
	_ =	sdelay $0x3  }
0x37: {  	[smem:$0x3FBA] =	sst s10  }
0x38: {  	s10 =	sld [smem:$0x3FBB]  }
0x39: {  	_ = 	snop;
	(pc) =	sbr.ind lr, $3  }
0x3a: {  	_ = 	snop  }
0x3b: {  	_ = 	snop  }
0x3c: {  	p2 =	seq.s32 s10, $0x1;
	s10 =	sld [smem:$0x3FBA]  }
0x3d: {  	_ =	shalt  }
0x3e: {  	_ =	shalt  }
0x3f: {  	_ =	shalt  }
0x40: {  	_ =	shalt  }
0x41: {  	_ =	shalt  }
0x42: {  	_ =	shalt  }
0x43: {  	_ =	shalt  }
0x44: {  	_ =	shalt  }
0x45: {  	_ =	shalt  }
0x46: {  	_ =	shalt  }
0x47: {  	_ =	shalt  }
0x48: {  	_ =	shalt  }
0x49: {  	_ =	shalt  }
0x4a: {  	_ =	shalt  }
0x4b: {  	_ =	shalt  }
0x4c: {  	_ =	shalt  }
0x4d: {  	_ =	shalt  }
0x4e: {  	_ =	shalt  }
0x4f: {  	_ =	shalt  }
0x50: {  	_ =	shalt  }
0x51: {  	_ =	shalt  }
0x52: {  	_ =	shalt  }
0x53: {  	_ =	shalt  }
0x54: {  	_ =	shalt  }
0x55: {  	_ =	shalt  }
0x56: {  	_ =	shalt  }
0x57: {  	_ =	shalt  }
0x58: {  	_ =	shalt  }
0x59: {  	_ =	shalt  }
0x5a: {  	_ =	shalt  }
0x5b: {  	_ =	shalt  }
0x5c: {  	_ =	shalt  }
0x5d: {  	_ =	shalt  }
0x5e: {  	_ =	shalt  }
0x5f: {  	_ =	shalt  }
0x60: {  	_ =	shalt  }
0x61: {  	_ =	shalt  }
0x62: {  	_ =	shalt  }
0x63: {  	_ =	shalt  }
0x64: {  	_ =	shalt  }
0x65: {  	_ =	shalt  }
0x66: {  	_ =	shalt  }
0x67: {  	_ =	shalt  }
0x68: {  	_ =	shalt  }
0x69: {  	_ =	shalt  }
0x6a: {  	_ =	shalt  }
0x6b: {  	_ =	shalt  }
0x6c: {  	_ =	shalt  }
0x6d: {  	_ =	shalt  }
0x6e: {  	_ =	shalt  }
0x6f: {  	_ =	shalt  }
0x70: {  	_ =	shalt  }
0x71: {  	_ =	shalt  }
0x72: {  	_ =	shalt  }
0x73: {  	_ =	shalt  }
0x74: {  	_ =	shalt  }
0x75: {  	_ =	shalt  }
0x76: {  	_ =	shalt  }
0x77: {  	_ =	shalt  }
0x78: {  	_ =	shalt  }
0x79: {  	_ =	shalt  }
0x7a: {  	_ =	shalt  }
0x7b: {  	_ =	shalt  }
0x7c: {  	_ =	shalt  }
0x7d: {  	_ =	shalt  }
0x7e: {  	_ =	shalt  }
0x7f: {  	_ =	shalt  }
0x80: {  	_ =	shalt  }
0x81: {  	_ =	shalt  }
0x82: {  	_ =	shalt  }
0x83: {  	_ =	shalt  }
0x84: {  	_ =	shalt  }
0x85: {  	_ =	shalt  }
0x86: {  	_ =	shalt  }
0x87: {  	_ =	shalt  }
.Lfunc_end0:
.L_simem_size_0:
called_computation_lowered:
.L_overlay_start_0:
0x88: {  	s2 =	sld [smem:$0x3FD9]  }
0x89: {  	s3 =	sld [smem:$0x3FFE];
	_ =	sdelay $0x1  }
0x8a: {  	s1 =	srdreg.scid  }
0x8b: {  	s0 =	sand.u32 $0x1, s1  }
0x8c: {  	s15 =	sshll.u32 s0, $0xA;
	s2 =	sadd.s32 s3, s2  }
0x8d: {  	s2 =	sadd.s32 s2, s15  }
0x8e: {  	[smem:$0x3FC6] =	sst s2  }
0x8f: {  	_ = 	snop  }
0x90: {  	s2 =	sld [smem:$0x3FD0];
	_ =	sdelay $0x1  }
0x91: {  	s16 =	sld [smem:$0x3FC9]  }
0x92: {  	s5 =	simm.s32 $0xA;
	s6 =	simm.s32 $0x10;
	s4 =	sld [smem:$0x3FC8]  }
0x93: {  	[smem:s6], [sflag:s5] =	dma.local [hbm:s2], $0x1  }
0x94: {  	_ =	swait.eq [sflag:s5], $0x1  }
0x95: {  	[sflag:s5] =	ssyncset.done $0x0  }
0x96: {  	s17 =	sld [smem:$0x10];
	[sflag:s5] =	ssyncadd.s32 $0xFFFFFFFF  }
0x97: {  	s18 =	sld [smem:$0x11];
	(tm) =	ssettm $0x1  }
0x98: {  	s19 =	sld [smem:$0x3FFB];
	_ =	sdelay $0x3  }
0x99: {  	_ =	strace s19  }
0x9a: {  	s6 =	sld [smem:$0x3FFC];
	_ =	sdelay $0x3  }
0x9b: {  	_ =	strace s6  }
0x9c: {  	s6 =	sld [smem:$0x3FFD];
	_ =	sdelay $0x3  }
0x9d: {  	_ =	strace s6  }
0x9e: {  	_ =	strace $0x8FFFFFFF  }
0x9f: {  	s20 =	sld [smem:$0x3FDB];
	_ =	sdelay $0x1  }
0xa0: {  	s7 =	simm.s32 $_scs_section_size  }
0xa1: {  	s8 =	simm.s32 $_size__tile_overlayer_lowered;
	s9 =	simm.s32 $_tile_overlayer_lowered  }
0xa2: {  	s23 =	simm.s32 $0x1BFF;
	s22 =	sshll.u32 s9, $0x1;
	s6 =	sadd.s32 s7, s20  }
0xa3: {  	s10 =	simm.s32 $0x0;
	s21 =	sshll.u32 s8, $0x1;
	s8 =	sadd.s32 s22, s6  }
0xa4: {  	[timem:s10], [sflag:s23] =	dma.local [hbm:s8], s21  }
0xa5: {  	_ =	swait.ge [sflag:s23], s21  }
0xa6: {  	s7 =	ssub.s32 $0x0, s21;
	[sflag:s23] =	ssyncset.done $0x0  }
0xa7: {  	[sflag:s23] =	ssyncadd.s32 s7;
	_ =	sdelay $0x1  }
0xa8: {  	s24 =	simm.s32 $0x1B8B  }
0xa9: {  	_ =	swait.ge [sflag:s24], $0x1  }
0xaa: {  	[sflag:s24] =	ssyncset.done $0x0  }
0xab: {  	s25 =	simm.s32 $0x1B8E;
	[sflag:s24] =	ssyncadd.s32 $0xFFFFFFFF  }
0xac: {  	s26 =	simm.s32 $execute0_lowered;
	[smem:$0x3FD2] =	sst s25  }
0xad: {  	s7 =	sshll.u32 s26, $0x1;
	_ =	strace $0x80000046;
	[dreg:$0x1] =	wrdreg $0xFFFFFFFF  }
0xae: {  	s28 =	simm.s32 $_size_execute0_lowered;
	s6 =	sadd.s32 s6, s7;
	[dreg:$0x0] =	wrdreg $0x0  }
0xaf: {  	s7 =	sshll.u32 s28, $0x1;
	[dreg:$0x2] =	wrdreg s6  }
0xb0: {  	[dreg:$0x3] =	wrdreg s7  }
0xb1: {  	[dreg:$0x4] =	wrdreg $0xC0  }
0xb2: {  	_ =	task [dreg:s10], $0x5FFFF  }
0xb3: {  	[dreg:$0x1] =	wrdreg $0xFFFFFFFF  }
0xb4: {  	[dreg:$0x0] =	wrdreg $0x60  }
0xb5: {  	[dreg:$0x2] =	wrdreg s16  }
0xb6: {  	[dreg:$0x3] =	wrdreg s4  }
0xb7: {  	[dreg:$0x4] =	wrdreg s17  }
0xb8: {  	[dreg:$0x5] =	wrdreg s18  }
0xb9: {  	[dreg:$0x6] =	wrdreg $0x0  }
0xba: {  	[dreg:$0x7] =	wrdreg $0x9  }
0xbb: {  	_ =	task.clear_ibuf [dreg:s10], $0x8FFFF;
	_ =	strace $0x90000046  }
0xbc: {  	s29 =	simm.s32 $0x9;
	_ =	strace $0x80000048  }
0xbd: {  	_ =	swait.ge [sflag:s29], $0x1  }
0xbe: {  	[sflag:s29] =	ssyncadd.s32 $0xFFFFFFFF  }
0xbf: {  	_ =	strace $0x90000048  }
0xc0: {  	_ =	sfence  }
0xc1: {  	s30 =	sld [smem:$0x0];
	_ =	sdelay $0x2  }
0xc2: {  	s31 =	sshll.u32 s1, $0xD;
	s1 =	sshrl.u32 s1, $0x2  }
0xc3: {  	s3 =	sand.u32 $0x4000, s31;
	s1 =	sadd.s32 s1, s30  }
0xc4: {  	s0 =	sor.u32 s3, s0;
	s1 =	sshll.u32 s1, $0x11  }
0xc5: {  	s0 =	sor.u32 s1, s0  }
0xc6: {  	s0 =	sadd.s32 $0x8F2B, s0  }
0xc7: {  	[sflag:s0] =	ssyncadd.remote.s32 $0x1  }
0xc8: {  	_ =	sfence.sel $0xFFFF  }
0xc9: {  	[dreg:$0x0] =	wrdreg $0xFFFFFFFF;
	(pc) =	sbr.abs _section_cstart, $3  }
0xca: {  	[dreg:$0x1] =	wrdreg $0xFFFFFFFF  }
0xcb: {  	_ =	task.clear_ibuf [dreg:s10], $0x2FFFF;
	_ =	strace $0x9FFFFFFF  }
0xcc: {  	(tm) =	ssettm $0x7FFFFFFF  }
0xcd: {  	_ =	shalt  }
tec
execute0_lowered:
.L_overlay_start_1:
0x0: {  	(tag) =	ssettag $0x1  }
0x1: {  	s5 =	rddreg [dreg:$0x0]  }
0x2: {  	s6 =	rddreg [dreg:$0x1]  }
0x3: {  	s8 =	rddreg [dreg:$0x2]  }
0x4: {  	s10 =	rddreg [dreg:$0x3]  }
0x5: {  	s1 =	rddreg [dreg:$0x4];
	s2 =	srdreg.scid  }
0x6: {  	s0 =	rddreg [dreg:$0x5];
	s3 =	simm.s32 $0x0;
	s13 =	simm.s32 $0x1  }
0x7: {  	s14 =	simm.s32 $0x2A78;
	s15 =	simm.s32 $0x80;
	s16 =	simm.s32 $0x0  }
0x8: {  	s7 =	sand.u32 $0x1, s2;
	[smem:$0x7FF] =	sst s3;
	s2 =	stileid.u32  }
0x9: {  	s4 =	ssub.s32 $0x2, s7;
	_ =	strace $0x80000047;
	s11 =	sshll.u32 s2, $0x1  }
0xa: {  	s31 =	smul.u32 $0x280, s2;
	p3 =	sne.s32 s2, $0xF;
	p2 =	seq.s32 s7, $0x0  }
0xb: {  	p0 =	seq.s32 s2, $0xF;
	p4 =	seq.s32 s7, $0x1;
	s9 =	sshrl.u32 s4, $0x1  }
0xc: {  	s30 =	sor.u32 s7, s11;
	p1 =	por !p2, !p3;
	p2 =	por !p2, !p0  }
0xd: {  	p3 =	por !p3, !p4;
	p4 =	por !p4, !p0;
	s12 =	ssub.s32 s4, s9  }
0xe: {  	s11 =	smul.u32 $0x500, s30;
	s4 =	sadd.s32 s31, s1;
	p1 =	por !p1, !p1  }
0xf: {  	s9 =	sshrl.u32 s31, $0x3;
	p2 =	por !p2, !p2;
	p3 =	por !p3, !p3  }
0x10: {  	p4 =	por !p4, !p4;
	s7 =	sadd.s32 s8, s9;
	s8 =	sadd.s32 $0x4B0, s8  }
0x11: {  	s9 =	sadd.s32 s10, s9;
	s10 =	sadd.s32 $0x4B0, s10;
	s5 =	sadd.s32 s5, s11  }
0x12: {  	v0 =	vimm.f32 $0.0e+00;
	s6 =	sadd.s32 s6, s11;
	s11 =	smax.u32 s12, $0x1;
	s12 =	simm.s32 $0x278  }
.LBB2_1:
0x13: {  	[tilespmem:$0x5278] =	vst v0  }
0x14: {  	[tilespmem:$0x5288] =	vst v0  }
0x15: {  	[tilespmem:$0x5298] =	vst v0  }
0x16: {  	[tilespmem:$0x52A8] =	vst v0  }
0x17: {  	[tilespmem:$0x52B8] =	vst v0  }
0x18: {  	[tilespmem:$0x52C8] =	vst v0  }
0x19: {  	[tilespmem:$0x52D8] =	vst v0  }
0x1a: {  	[tilespmem:$0x52E8] =	vst v0  }
0x1b: {  	[tilespmem:$0x52F8] =	vst v0  }
0x1c: {  	[tilespmem:$0x5308] =	vst v0  }
0x1d: {  	[tilespmem:$0x5318] =	vst v0  }
0x1e: {  	[tilespmem:$0x5328] =	vst v0  }
0x1f: {  	[tilespmem:$0x5338] =	vst v0  }
0x20: {  	[tilespmem:$0x5348] =	vst v0  }
0x21: {  	[tilespmem:$0x5358] =	vst v0  }
0x22: {  	[tilespmem:$0x5368] =	vst v0  }
0x23: {  	[tilespmem:$0x5378] =	vst v0  }
0x24: {  	[tilespmem:$0x5388] =	vst v0  }
0x25: {  	[tilespmem:$0x5398] =	vst v0  }
0x26: {  	[tilespmem:$0x53A8] =	vst v0  }
0x27: {  	[tilespmem:$0x53B8] =	vst v0  }
0x28: {  	[tilespmem:$0x53C8] =	vst v0  }
0x29: {  	[tilespmem:$0x53D8] =	vst v0  }
0x2a: {  	[tilespmem:$0x53E8] =	vst v0  }
0x2b: {  	[tilespmem:$0x53F8] =	vst v0  }
0x2c: {  	[tilespmem:$0x5408] =	vst v0  }
0x2d: {  	[tilespmem:$0x5418] =	vst v0  }
0x2e: {  	[tilespmem:$0x5428] =	vst v0  }
0x2f: {  	[tilespmem:$0x5438] =	vst v0  }
0x30: {  	[tilespmem:$0x5448] =	vst v0  }
0x31: {  	[tilespmem:$0x5458] =	vst v0  }
0x32: {  	[tilespmem:$0x5468] =	vst v0  }
0x33: {  	[tilespmem:$0x5478] =	vst v0  }
0x34: {  	[tilespmem:$0x5488] =	vst v0  }
0x35: {  	[tilespmem:$0x5498] =	vst v0  }
0x36: {  	[tilespmem:$0x54A8] =	vst v0  }
0x37: {  	[tilespmem:$0x54B8] =	vst v0  }
0x38: {  	[tilespmem:$0x54C8] =	vst v0  }
0x39: {  	[tilespmem:$0x54D8] =	vst v0  }
0x3a: {  	[tilespmem:$0x54E8] =	vst v0;
	s17 =	simm.s32 @p0 $0x5278  }
0x3b: {  	[spmem:s4] =	stream.linear.scatter @p0 [tilespmem:s17], [sflag:$0x1], $0x190, $0x38;
	[tilespmem:$0x54F8] =	vst v63  }
0x3c: {  	s17 =	simm.s32 @p0 $0x1  }
0x3d: {  	_ =	swait.ge @p0 [sflag:s17], $0x190  }
0x3e: {  	[sflag:s17] =	ssyncset.done @p0 $0x0  }
0x3f: {  	[sflag:s17] =	ssyncadd.s32 @p0 $0xFFFFFE70;
	s17 =	simm.s32 @!p0 $0x5278  }
0x40: {  	[spmem:s4] =	stream.linear.scatter @!p0 [tilespmem:s17], [sflag:$0x1], $0x280, $0x38;
	[tilespmem:$0x54F8] =	vst v63  }
0x41: {  	s17 =	simm.s32 @!p0 $0x1  }
0x42: {  	_ =	swait.ge @!p0 [sflag:s17], $0x280  }
0x43: {  	[sflag:s17] =	ssyncset.done @!p0 $0x0  }
0x44: {  	[sflag:s17] =	ssyncadd.s32 @!p0 $0xFFFFFD80  }
0x45: {  	[tilespmem:s12], [sflag:$0x1] =	stream.linear.gather [hbm4b:s5+s3], $0x2800, $0x38;
	[tilespmem:$0x54F8] =	vst v63  }
0x46: {  	_ =	swait.ge [sflag:s13], $0x2800  }
0x47: {  	[sflag:s13] =	ssyncset.done $0x0  }
0x48: {  	[sflag:s13] =	ssyncadd.s32 $0xFFFFD800  }
0x49: {  	[tilespmem:s14], [sflag:$0x1] =	stream.linear.gather [hbm4b:s6+s3], $0x2800, $0x38;
	[tilespmem:$0x54F8] =	vst v63  }
0x4a: {  	_ =	swait.ge [sflag:s13], $0x2800  }
0x4b: {  	[sflag:s13] =	ssyncset.done $0x0  }
0x4c: {  	[sflag:s13] =	ssyncadd.s32 $0xFFFFD800  }
0x4d: {  	s31 =	simm.s32 $0x2A78;
	s18 =	simm.s32 $0x278;
	[bflag:$0x0] =	sbarrier.arrive $0xFFFF  }
0x4e: {  	[spmem:s1] =	stream.indirect.scatter.add.f32 [tilespmem:s31], [sflag:$0x1], $0x1, s18, s15, $0xb8;
	[tilespmem:$0x54F8] =	vst v63  }
0x4f: {  	s17 =	simm.s32 $0x200;
	_ =	swait.ge [sflag:s13], $0x80  }
.LBB2_2:
0x50: {  	s18 =	sshra.s32 s17, $0x2  }
0x51: {  	[sflag:s13] =	ssyncset.done $0x0;
	p5 =	sne.s32 s17, $0x9E00;
	s19 =	sadd.s32 $0x2A78, s18  }
.Ltmp0:
0x52: {  	s18 =	sadd.s32 $0x278, s18;
	[sflag:s13] =	ssyncadd.s32 $0xFFFFFF80;
	(pc) =	sbr.rel @p5 .LBB2_2-.Ltmp0, $3  }
0x53: {  	[spmem:s1] =	stream.indirect.scatter.add.f32 [tilespmem:s19], [sflag:$0x1], $0x1, s18, s15, $0xb8;
	[tilespmem:$0x54F8] =	vst v63  }
0x54: {  	s17 =	sadd.s32 $0x200, s17;
	_ =	sdelay $0x1  }
0x55: {  	_ =	swait.ge [sflag:s13], $0x80  }
0x56: {  	[sflag:s13] =	ssyncset.done $0x0  }
0x57: {  	[sflag:s13] =	ssyncadd.s32 $0xFFFFFF80  }
0x58: {  	s17 =	simm.s32 @p1 $0x5278;
	s18 =	simm.s32 @p1 $0x1;
	[bflag:$0x0] =	sbarrier.arrive $0xFFFF  }
0x59: {  	[tilespmem:s17], [sflag:$0x1] =	stream.linear.gather @p1 [spmem:s4], $0x280, $0x38;
	[tilespmem:$0x54F8] =	vst v63  }
0x5a: {  	_ =	swait.ge @p1 [sflag:s18], $0x280  }
0x5b: {  	[sflag:s18] =	ssyncset.done @p1 $0x0  }
0x5c: {  	s19 =	simm.s32 @p1 $0x0;
	[sflag:s18] =	ssyncadd.s32 @p1 $0xFFFFFD80  }
0x5d: {  	[hbm4b:s7+s19] =	stream.linear.scatter @p1 [tilespmem:s17], [sflag:$0x1], $0x280, $0x38;
	[tilespmem:$0x54F8] =	vst v63  }
0x5e: {  	_ =	swait.ge @p1 [sflag:s18], $0x280  }
0x5f: {  	[sflag:s18] =	ssyncset.done @p1 $0x0  }
0x60: {  	s17 =	simm.s32 @p2 $0x5278;
	[sflag:s18] =	ssyncadd.s32 @p1 $0xFFFFFD80;
	s18 =	simm.s32 @p2 $0x1  }
0x61: {  	[tilespmem:s17], [sflag:$0x1] =	stream.linear.gather @p2 [spmem:s4], $0x190, $0x38;
	[tilespmem:$0x54F8] =	vst v63  }
0x62: {  	_ =	swait.ge @p2 [sflag:s18], $0x190  }
0x63: {  	[sflag:s18] =	ssyncset.done @p2 $0x0  }
0x64: {  	s19 =	simm.s32 @p2 $0x0;
	[sflag:s18] =	ssyncadd.s32 @p2 $0xFFFFFE70  }
0x65: {  	[hbm4b:s8+s19] =	stream.linear.scatter @p2 [tilespmem:s17], [sflag:$0x1], $0x190, $0x38;
	[tilespmem:$0x54F8] =	vst v63  }
0x66: {  	_ =	swait.ge @p2 [sflag:s18], $0x190  }
0x67: {  	[sflag:s18] =	ssyncset.done @p2 $0x0  }
0x68: {  	s17 =	simm.s32 @p3 $0x5278;
	[sflag:s18] =	ssyncadd.s32 @p2 $0xFFFFFE70;
	s18 =	simm.s32 @p3 $0x1  }
0x69: {  	[tilespmem:s17], [sflag:$0x1] =	stream.linear.gather @p3 [spmem:s4], $0x280, $0x38;
	[tilespmem:$0x54F8] =	vst v63  }
0x6a: {  	_ =	swait.ge @p3 [sflag:s18], $0x280  }
0x6b: {  	[sflag:s18] =	ssyncset.done @p3 $0x0  }
0x6c: {  	s19 =	simm.s32 @p3 $0x0;
	[sflag:s18] =	ssyncadd.s32 @p3 $0xFFFFFD80  }
0x6d: {  	[hbm4b:s9+s19] =	stream.linear.scatter @p3 [tilespmem:s17], [sflag:$0x1], $0x280, $0x38;
	[tilespmem:$0x54F8] =	vst v63  }
0x6e: {  	_ =	swait.ge @p3 [sflag:s18], $0x280  }
0x6f: {  	[sflag:s18] =	ssyncset.done @p3 $0x0  }
0x70: {  	s17 =	simm.s32 @p4 $0x5278;
	[sflag:s18] =	ssyncadd.s32 @p3 $0xFFFFFD80;
	s18 =	simm.s32 @p4 $0x1  }
0x71: {  	[tilespmem:s17], [sflag:$0x1] =	stream.linear.gather @p4 [spmem:s4], $0x190, $0x38;
	[tilespmem:$0x54F8] =	vst v63  }
0x72: {  	s16 =	sadd.s32 $0x1, s16;
	_ =	swait.ge @p4 [sflag:s18], $0x190  }
0x73: {  	p5 =	sne.s32 s16, s11;
	[sflag:s18] =	ssyncset.done @p4 $0x0  }
.Ltmp1:
0x74: {  	s19 =	simm.s32 @p4 $0x0;
	[sflag:s18] =	ssyncadd.s32 @p4 $0xFFFFFE70;
	(pc) =	sbr.rel @p5 .LBB2_1-.Ltmp1, $4  }
0x75: {  	[hbm4b:s10+s19] =	stream.linear.scatter @p4 [tilespmem:s17], [sflag:$0x1], $0x190, $0x38;
	[tilespmem:$0x54F8] =	vst v63  }
0x76: {  	_ =	swait.ge @p4 [sflag:s18], $0x190  }
0x77: {  	[sflag:s18] =	ssyncset.done @p4 $0x0  }
0x78: {  	[sflag:s18] =	ssyncadd.s32 @p4 $0xFFFFFE70  }
0x79: {  	_ =	sfence.sel $0x180000  }
0x7a: {  	[bflag:$0x0] =	sbarrier.arrive $0xFFFF  }
0x7b: {  	p0 =	sne.s32 s2, $0x0;
	_ =	strace $0x90000047  }
0x7c: {  	s0 =	sadd.s32 @!p0 $0x100000, s0;
	[bflag:$0x2] =	sbarrier.arrive $0xFFFF  }
0x7d: {  	[sflag:s0] =	ssyncadd.tile.s32 @!p0 $0x1;
	_ =	shalt  }
.Lfunc_end2:
_tile_overlayer_lowered:
.L_overlay_start_2:
0x7e: {  	(tag) =	ssettag $0x2  }
0x7f: {  	s0 =	rddreg [dreg:$0x0];
	s2 =	stileid.u32  }
0x80: {  	s1 =	rddreg [dreg:$0x1];
	p0 =	sne.s32 s2, $0x0  }
0x81: {  	s3 =	rddreg [dreg:$0x2];
	[bflag:$0x3] =	sbarrier.arrive $0xFFFF;
	s2 =	simm.s32 @!p0 $0x1C01  }
0x82: {  	[timem:s3], [sflag:s2] =	dma.local @!p0 [hbm:s0], s1  }
0x83: {  	s0 =	simm.s32 @!p0 $0x1  }
0x84: {  	_ =	swait.ge @!p0 [sflag:s0], s1  }
0x85: {  	s1 =	ssub.s32 @!p0 $0x0, s1;
	[sflag:s0] =	ssyncset.done @!p0 $0x0  }
0x86: {  	[sflag:s0] =	ssyncadd.s32 @!p0 s1  }
0x87: {  	[bflag:$0x3] =	sbarrier.arrive $0xFFFF  }
0x88: {  	_ =	shalt  }

</sc_bundles>
